<compile_context>
chip_gen: v7x
topology: tpu7x:2x2x1
jax: 0.10.2.dev20260603
libtpu: 0.0.44.dev20260713+nightly
codegen_flags: <defaults>
</compile_context>

<pallas_src>
import functools

import numpy as np
import jax
import jax.numpy as jnp
from jax import lax
from jax.experimental import pallas as pl
from jax.experimental.pallas import tpu as pltpu
from jax.experimental.pallas import tpu_sc as plsc

ROWS = 64
COLS = 32768
LANES = 16
NUM_CORES = 2
NUM_SUBCORES = 16
NUM_WORKERS = NUM_CORES * NUM_SUBCORES
ROWS_PER_WORKER = ROWS // NUM_WORKERS
CHUNKS = COLS // LANES
UNROLL = 8
BIG = 2**30


def _row_argmax(row_ref):
  lane_iota = lax.iota(jnp.int32, LANES)

  init_max = []
  init_idx = []
  for u in range(UNROLL):
    v = row_ref[pl.ds(u * LANES, LANES)]
    init_max.append(v)
    init_idx.append(lane_iota + u * LANES)

  def body(g, carry):
    maxs = list(carry[0])
    idxs = list(carry[1])
    base = g * (UNROLL * LANES)
    for u in range(UNROLL):
      v = row_ref[pl.ds(base + u * LANES, LANES)]
      cand_idx = lane_iota + (base + u * LANES)
      gt = v > maxs[u]
      maxs[u] = jnp.where(gt, v, maxs[u])
      idxs[u] = jnp.where(gt, cand_idx, idxs[u])
    return (tuple(maxs), tuple(idxs))

  maxs, idxs = lax.fori_loop(
      1, CHUNKS // UNROLL, body, (tuple(init_max), tuple(init_idx)))

  gmax_v = maxs[0]
  for u in range(1, UNROLL):
    gmax_v = jnp.maximum(gmax_v, maxs[u])
  gmax = jnp.max(gmax_v, axis=0)
  big_v = jnp.full((LANES,), BIG, jnp.int32)
  best = big_v
  for u in range(UNROLL):
    best = jnp.minimum(best, jnp.where(maxs[u] == gmax, idxs[u], big_v))
  return jnp.min(best, axis=0)


def _body(x_hbm, out_hbm, row0_v, row1_v, res_v, sem0, sem1):
  cid = lax.axis_index("c")
  sid = lax.axis_index("s")
  wid = cid * NUM_SUBCORES + sid
  r0 = wid * ROWS_PER_WORKER

  cp0 = pltpu.make_async_copy(x_hbm.at[r0], row0_v, sem0)
  cp0.start()
  cp1 = pltpu.make_async_copy(x_hbm.at[r0 + 1], row1_v, sem1)
  cp1.start()

  cp0.wait()
  a0 = _row_argmax(row0_v)
  cp1.wait()
  a1 = _row_argmax(row1_v)

  lane_iota = lax.iota(jnp.int32, LANES)
  res_v[...] = jnp.where(lane_iota == 0, a0, a1)
  pltpu.sync_copy(res_v, out_hbm.at[wid])


@jax.jit
def kernel(x):
  mesh = plsc.VectorSubcoreMesh(
      core_axis_name="c", subcore_axis_name="s",
      num_cores=NUM_CORES, num_subcores=NUM_SUBCORES)
  padded = pl.kernel(
      _body,
      out_type=jax.ShapeDtypeStruct((NUM_WORKERS, LANES), jnp.int32),
      mesh=mesh,
      scratch_types=[
          pltpu.VMEM((COLS,), jnp.float32),
          pltpu.VMEM((COLS,), jnp.float32),
          pltpu.VMEM((LANES,), jnp.int32),
          pltpu.SemaphoreType.DMA,
          pltpu.SemaphoreType.DMA,
      ],
      compiler_params=pltpu.CompilerParams(needs_layout_passes=False),
  )(x)
  return padded[:, :ROWS_PER_WORKER].reshape(ROWS)

# --- scband reference (transcript-rebuilt; emitter-appended) ---
"""Pipeline reference for scband-argmax-28527172780674 (READ-ONLY COPY).

The authoritative reference and input builder live on the scoring server;
editing this copy changes nothing except your own understanding.
"""

import jax, jax.numpy as jnp
import numpy as np

def setup_inputs(seed: int = 0) -> dict:
    key = jax.random.key(seed)
    x = jax.random.normal(key, (64, 32768), dtype=jnp.float32)
    return {"x": x}

def reference(x):
    # Argmax(dim=-1, keepdim=False)
    return jnp.argmax(x, axis=-1)

if __name__ == "__main__":
    import jax
    _d = setup_inputs()
    print(jax.jit(kernel)(*tuple(_d.values())))

</pallas_src>

<mosaic_0001>
#map = affine_map<(d0, d1) -> (0, 0)>
module attributes {stable_mosaic.version = 14 : i64} {
  func.func @_body(%arg0: i32, %arg1: i32, %arg2: memref<64x32768xf32, #tpu.memory_space<hbm>>, %arg3: memref<32x16xi32, #tpu.memory_space<hbm>>, %arg4: memref<32768xf32, #tpu.memory_space<vmem>>, %arg5: memref<32768xf32, #tpu.memory_space<vmem>>, %arg6: memref<16xi32, #tpu.memory_space<vmem>>, %arg7: memref<!tpu.dma_semaphore, #tpu.memory_space<semaphore_mem>>, %arg8: memref<!tpu.dma_semaphore, #tpu.memory_space<semaphore_mem>>) attributes {dimension_semantics = [#tpu.dimension_semantics<core_parallel>, #tpu.dimension_semantics<subcore_parallel>], iteration_bounds = array<i64: 2, 16>, scalar_prefetch = 0 : i64, scratch_operands = 5 : i64, tpu.core_type = #tpu.core_type<sc_vector_subcore>, window_params = [{transform_indices = #map}, {transform_indices = #map}]} {
    %mul3A = arith.constant 16 : i32
    %mul3A_0 = arith.muli %arg0, %mul3A : i32
    %add3A = arith.addi %mul3A_0, %arg1 : i32
    %mul3A_1 = arith.constant 2 : i32
    %mul3A_2 = arith.muli %add3A, %mul3A_1 : i32
    %dma_start3A = arith.constant 0 : i32
    %dma_start3A_3 = tpu.memref_slice %arg2[%mul3A_2, %dma_start3A] : memref<64x32768xf32, #tpu.memory_space<hbm>> -> memref<1x32768xf32, #tpu.memory_space<hbm>>
    %dma_start3A_4 = tpu.memref_squeeze %dma_start3A_3 : memref<1x32768xf32, #tpu.memory_space<hbm>> -> memref<32768xf32, #tpu.memory_space<hbm>>
    %dma_start3A_5 = arith.constant 0 : i32
    %dma_start3A_6 = tpu.memref_slice %arg2[%mul3A_2, %dma_start3A_5] : memref<64x32768xf32, #tpu.memory_space<hbm>> -> memref<1x32768xf32, #tpu.memory_space<hbm>>
    %dma_start3A_7 = tpu.memref_squeeze %dma_start3A_6 : memref<1x32768xf32, #tpu.memory_space<hbm>> -> memref<32768xf32, #tpu.memory_space<hbm>>
    tpu.enqueue_dma source(%dma_start3A_7 : memref<32768xf32, #tpu.memory_space<hbm>>) target(%arg4 : memref<32768xf32, #tpu.memory_space<vmem>>) target_semaphore(%arg7 : memref<!tpu.dma_semaphore, #tpu.memory_space<semaphore_mem>>)
    %add3A_8 = arith.constant 1 : i32
    %add3A_9 = arith.addi %mul3A_2, %add3A_8 : i32
    %dma_start3A_10 = arith.constant 0 : i32
    %dma_start3A_11 = tpu.memref_slice %arg2[%add3A_9, %dma_start3A_10] : memref<64x32768xf32, #tpu.memory_space<hbm>> -> memref<1x32768xf32, #tpu.memory_space<hbm>>
    %dma_start3A_12 = tpu.memref_squeeze %dma_start3A_11 : memref<1x32768xf32, #tpu.memory_space<hbm>> -> memref<32768xf32, #tpu.memory_space<hbm>>
    %dma_start3A_13 = arith.constant 0 : i32
    %dma_start3A_14 = tpu.memref_slice %arg2[%add3A_9, %dma_start3A_13] : memref<64x32768xf32, #tpu.memory_space<hbm>> -> memref<1x32768xf32, #tpu.memory_space<hbm>>
    %dma_start3A_15 = tpu.memref_squeeze %dma_start3A_14 : memref<1x32768xf32, #tpu.memory_space<hbm>> -> memref<32768xf32, #tpu.memory_space<hbm>>
    tpu.enqueue_dma source(%dma_start3A_15 : memref<32768xf32, #tpu.memory_space<hbm>>) target(%arg5 : memref<32768xf32, #tpu.memory_space<vmem>>) target_semaphore(%arg8 : memref<!tpu.dma_semaphore, #tpu.memory_space<semaphore_mem>>)
    %dma_wait3A = arith.constant 0 : i32
    %dma_wait3A_16 = tpu.memref_slice %arg2[%mul3A_2, %dma_wait3A] : memref<64x32768xf32, #tpu.memory_space<hbm>> -> memref<1x32768xf32, #tpu.memory_space<hbm>>
    %dma_wait3A_17 = tpu.memref_squeeze %dma_wait3A_16 : memref<1x32768xf32, #tpu.memory_space<hbm>> -> memref<32768xf32, #tpu.memory_space<hbm>>
    %dma_wait3A_18 = arith.constant 0 : i32
    %dma_wait3A_19 = tpu.memref_slice %arg2[%mul3A_2, %dma_wait3A_18] : memref<64x32768xf32, #tpu.memory_space<hbm>> -> memref<1x32768xf32, #tpu.memory_space<hbm>>
    %dma_wait3A_20 = tpu.memref_squeeze %dma_wait3A_19 : memref<1x32768xf32, #tpu.memory_space<hbm>> -> memref<32768xf32, #tpu.memory_space<hbm>>
    tpu.wait_dma2 semaphore(%arg7 : memref<!tpu.dma_semaphore, #tpu.memory_space<semaphore_mem>>) src(%dma_wait3A_20 : memref<32768xf32, #tpu.memory_space<hbm>>) dst(%arg4 : memref<32768xf32, #tpu.memory_space<vmem>>)
    %iota3A = tpu.iota {dimensions = array<i32: 0>} : vector<16xi32>
    %get3A = arith.constant 0 : index
    %get3A_21 = tpu.vector_load %arg4[%get3A] {strides = array<i32>} : memref<32768xf32, #tpu.memory_space<vmem>>, vector<16xf32>,
    %add3A_22 = arith.constant 0 : i32
    %add3A_23 = vector.broadcast %add3A_22 : i32 to vector<16xi32>
    %add3A_24 = arith.addi %iota3A, %add3A_23 : vector<16xi32>
    %get3A_25 = arith.constant 16 : index
    %get3A_26 = tpu.vector_load %arg4[%get3A_25] {strides = array<i32>} : memref<32768xf32, #tpu.memory_space<vmem>>, vector<16xf32>,
    %add3A_27 = arith.constant 16 : i32
    %add3A_28 = vector.broadcast %add3A_27 : i32 to vector<16xi32>
    %add3A_29 = arith.addi %iota3A, %add3A_28 : vector<16xi32>
    %get3A_30 = arith.constant 32 : index
    %get3A_31 = tpu.vector_load %arg4[%get3A_30] {strides = array<i32>} : memref<32768xf32, #tpu.memory_space<vmem>>, vector<16xf32>,
    %add3A_32 = arith.constant 32 : i32
    %add3A_33 = vector.broadcast %add3A_32 : i32 to vector<16xi32>
    %add3A_34 = arith.addi %iota3A, %add3A_33 : vector<16xi32>
    %get3A_35 = arith.constant 48 : index
    %get3A_36 = tpu.vector_load %arg4[%get3A_35] {strides = array<i32>} : memref<32768xf32, #tpu.memory_space<vmem>>, vector<16xf32>,
    %add3A_37 = arith.constant 48 : i32
    %add3A_38 = vector.broadcast %add3A_37 : i32 to vector<16xi32>
    %add3A_39 = arith.addi %iota3A, %add3A_38 : vector<16xi32>
    %get3A_40 = arith.constant 64 : index
    %get3A_41 = tpu.vector_load %arg4[%get3A_40] {strides = array<i32>} : memref<32768xf32, #tpu.memory_space<vmem>>, vector<16xf32>,
    %add3A_42 = arith.constant 64 : i32
    %add3A_43 = vector.broadcast %add3A_42 : i32 to vector<16xi32>
    %add3A_44 = arith.addi %iota3A, %add3A_43 : vector<16xi32>
    %get3A_45 = arith.constant 80 : index
    %get3A_46 = tpu.vector_load %arg4[%get3A_45] {strides = array<i32>} : memref<32768xf32, #tpu.memory_space<vmem>>, vector<16xf32>,
    %add3A_47 = arith.constant 80 : i32
    %add3A_48 = vector.broadcast %add3A_47 : i32 to vector<16xi32>
    %add3A_49 = arith.addi %iota3A, %add3A_48 : vector<16xi32>
    %get3A_50 = arith.constant 96 : index
    %get3A_51 = tpu.vector_load %arg4[%get3A_50] {strides = array<i32>} : memref<32768xf32, #tpu.memory_space<vmem>>, vector<16xf32>,
    %add3A_52 = arith.constant 96 : i32
    %add3A_53 = vector.broadcast %add3A_52 : i32 to vector<16xi32>
    %add3A_54 = arith.addi %iota3A, %add3A_53 : vector<16xi32>
    %get3A_55 = arith.constant 112 : index
    %get3A_56 = tpu.vector_load %arg4[%get3A_55] {strides = array<i32>} : memref<32768xf32, #tpu.memory_space<vmem>>, vector<16xf32>,
    %add3A_57 = arith.constant 112 : i32
    %add3A_58 = vector.broadcast %add3A_57 : i32 to vector<16xi32>
    %add3A_59 = arith.addi %iota3A, %add3A_58 : vector<16xi32>
    %scan3A = arith.constant 1 : i32
    %scan3A_60 = arith.constant 255 : i32
    %scan3A_61 = arith.addi %scan3A, %scan3A_60 : i32
    %scan3A_62 = arith.constant 1 : i32
    %scan3A_63:16 = scf.for %scan3A_225 = %scan3A to %scan3A_61 step %scan3A_62 iter_args(%scan3A_226 = %get3A_21, %scan3A_227 = %get3A_26, %scan3A_228 = %get3A_31, %scan3A_229 = %get3A_36, %scan3A_230 = %get3A_41, %scan3A_231 = %get3A_46, %scan3A_232 = %get3A_51, %scan3A_233 = %get3A_56, %scan3A_234 = %add3A_24, %scan3A_235 = %add3A_29, %scan3A_236 = %add3A_34, %scan3A_237 = %add3A_39, %scan3A_238 = %add3A_44, %scan3A_239 = %add3A_49, %scan3A_240 = %add3A_54, %scan3A_241 = %add3A_59) -> (vector<16xf32>, vector<16xf32>, vector<16xf32>, vector<16xf32>, vector<16xf32>, vector<16xf32>, vector<16xf32>, vector<16xf32>, vector<16xi32>, vector<16xi32>, vector<16xi32>, vector<16xi32>, vector<16xi32>, vector<16xi32>, vector<16xi32>, vector<16xi32>)  : i32 {
      %mul3A_242 = arith.constant 128 : i32
      %mul3A_243 = arith.muli %scan3A_225, %mul3A_242 : i32
      %add3A_244 = arith.constant 0 : i32
      %add3A_245 = arith.addi %mul3A_243, %add3A_244 : i32
      %get3A_246 = arith.index_cast %add3A_245 : i32 to index
      %get3A_247 = tpu.vector_load %arg4[%get3A_246] {strides = array<i32>} : memref<32768xf32, #tpu.memory_space<vmem>>, vector<16xf32>,
      %add3A_248 = arith.constant 0 : i32
      %add3A_249 = arith.addi %mul3A_243, %add3A_248 : i32
      %add3A_250 = vector.broadcast %add3A_249 : i32 to vector<16xi32>
      %add3A_251 = arith.addi %iota3A, %add3A_250 : vector<16xi32>
      %gt3A = arith.cmpf ogt, %get3A_247, %scan3A_226 : vector<16xf32>
      %select_n3A_252 = arith.select %gt3A, %get3A_247, %scan3A_226 : vector<16xi1>, vector<16xf32>
      %select_n3A_253 = arith.select %gt3A, %add3A_251, %scan3A_234 : vector<16xi1>, vector<16xi32>
      %add3A_254 = arith.constant 16 : i32
      %add3A_255 = arith.addi %mul3A_243, %add3A_254 : i32
      %get3A_256 = arith.index_cast %add3A_255 : i32 to index
      %get3A_257 = tpu.vector_load %arg4[%get3A_256] {strides = array<i32>} : memref<32768xf32, #tpu.memory_space<vmem>>, vector<16xf32>,
      %add3A_258 = arith.constant 16 : i32
      %add3A_259 = arith.addi %mul3A_243, %add3A_258 : i32
      %add3A_260 = vector.broadcast %add3A_259 : i32 to vector<16xi32>
      %add3A_261 = arith.addi %iota3A, %add3A_260 : vector<16xi32>
      %gt3A_262 = arith.cmpf ogt, %get3A_257, %scan3A_227 : vector<16xf32>
      %select_n3A_263 = arith.select %gt3A_262, %get3A_257, %scan3A_227 : vector<16xi1>, vector<16xf32>
      %select_n3A_264 = arith.select %gt3A_262, %add3A_261, %scan3A_235 : vector<16xi1>, vector<16xi32>
      %add3A_265 = arith.constant 32 : i32
      %add3A_266 = arith.addi %mul3A_243, %add3A_265 : i32
      %get3A_267 = arith.index_cast %add3A_266 : i32 to index
      %get3A_268 = tpu.vector_load %arg4[%get3A_267] {strides = array<i32>} : memref<32768xf32, #tpu.memory_space<vmem>>, vector<16xf32>,
      %add3A_269 = arith.constant 32 : i32
      %add3A_270 = arith.addi %mul3A_243, %add3A_269 : i32
      %add3A_271 = vector.broadcast %add3A_270 : i32 to vector<16xi32>
      %add3A_272 = arith.addi %iota3A, %add3A_271 : vector<16xi32>
      %gt3A_273 = arith.cmpf ogt, %get3A_268, %scan3A_228 : vector<16xf32>
      %select_n3A_274 = arith.select %gt3A_273, %get3A_268, %scan3A_228 : vector<16xi1>, vector<16xf32>
      %select_n3A_275 = arith.select %gt3A_273, %add3A_272, %scan3A_236 : vector<16xi1>, vector<16xi32>
      %add3A_276 = arith.constant 48 : i32
      %add3A_277 = arith.addi %mul3A_243, %add3A_276 : i32
      %get3A_278 = arith.index_cast %add3A_277 : i32 to index
      %get3A_279 = tpu.vector_load %arg4[%get3A_278] {strides = array<i32>} : memref<32768xf32, #tpu.memory_space<vmem>>, vector<16xf32>,
      %add3A_280 = arith.constant 48 : i32
      %add3A_281 = arith.addi %mul3A_243, %add3A_280 : i32
      %add3A_282 = vector.broadcast %add3A_281 : i32 to vector<16xi32>
      %add3A_283 = arith.addi %iota3A, %add3A_282 : vector<16xi32>
      %gt3A_284 = arith.cmpf ogt, %get3A_279, %scan3A_229 : vector<16xf32>
      %select_n3A_285 = arith.select %gt3A_284, %get3A_279, %scan3A_229 : vector<16xi1>, vector<16xf32>
      %select_n3A_286 = arith.select %gt3A_284, %add3A_283, %scan3A_237 : vector<16xi1>, vector<16xi32>
      %add3A_287 = arith.constant 64 : i32
      %add3A_288 = arith.addi %mul3A_243, %add3A_287 : i32
      %get3A_289 = arith.index_cast %add3A_288 : i32 to index
      %get3A_290 = tpu.vector_load %arg4[%get3A_289] {strides = array<i32>} : memref<32768xf32, #tpu.memory_space<vmem>>, vector<16xf32>,
      %add3A_291 = arith.constant 64 : i32
      %add3A_292 = arith.addi %mul3A_243, %add3A_291 : i32
      %add3A_293 = vector.broadcast %add3A_292 : i32 to vector<16xi32>
      %add3A_294 = arith.addi %iota3A, %add3A_293 : vector<16xi32>
      %gt3A_295 = arith.cmpf ogt, %get3A_290, %scan3A_230 : vector<16xf32>
      %select_n3A_296 = arith.select %gt3A_295, %get3A_290, %scan3A_230 : vector<16xi1>, vector<16xf32>
      %select_n3A_297 = arith.select %gt3A_295, %add3A_294, %scan3A_238 : vector<16xi1>, vector<16xi32>
      %add3A_298 = arith.constant 80 : i32
      %add3A_299 = arith.addi %mul3A_243, %add3A_298 : i32
      %get3A_300 = arith.index_cast %add3A_299 : i32 to index
      %get3A_301 = tpu.vector_load %arg4[%get3A_300] {strides = array<i32>} : memref<32768xf32, #tpu.memory_space<vmem>>, vector<16xf32>,
      %add3A_302 = arith.constant 80 : i32
      %add3A_303 = arith.addi %mul3A_243, %add3A_302 : i32
      %add3A_304 = vector.broadcast %add3A_303 : i32 to vector<16xi32>
      %add3A_305 = arith.addi %iota3A, %add3A_304 : vector<16xi32>
      %gt3A_306 = arith.cmpf ogt, %get3A_301, %scan3A_231 : vector<16xf32>
      %select_n3A_307 = arith.select %gt3A_306, %get3A_301, %scan3A_231 : vector<16xi1>, vector<16xf32>
      %select_n3A_308 = arith.select %gt3A_306, %add3A_305, %scan3A_239 : vector<16xi1>, vector<16xi32>
      %add3A_309 = arith.constant 96 : i32
      %add3A_310 = arith.addi %mul3A_243, %add3A_309 : i32
      %get3A_311 = arith.index_cast %add3A_310 : i32 to index
      %get3A_312 = tpu.vector_load %arg4[%get3A_311] {strides = array<i32>} : memref<32768xf32, #tpu.memory_space<vmem>>, vector<16xf32>,
      %add3A_313 = arith.constant 96 : i32
      %add3A_314 = arith.addi %mul3A_243, %add3A_313 : i32
      %add3A_315 = vector.broadcast %add3A_314 : i32 to vector<16xi32>
      %add3A_316 = arith.addi %iota3A, %add3A_315 : vector<16xi32>
      %gt3A_317 = arith.cmpf ogt, %get3A_312, %scan3A_232 : vector<16xf32>
      %select_n3A_318 = arith.select %gt3A_317, %get3A_312, %scan3A_232 : vector<16xi1>, vector<16xf32>
      %select_n3A_319 = arith.select %gt3A_317, %add3A_316, %scan3A_240 : vector<16xi1>, vector<16xi32>
      %add3A_320 = arith.constant 112 : i32
      %add3A_321 = arith.addi %mul3A_243, %add3A_320 : i32
      %get3A_322 = arith.index_cast %add3A_321 : i32 to index
      %get3A_323 = tpu.vector_load %arg4[%get3A_322] {strides = array<i32>} : memref<32768xf32, #tpu.memory_space<vmem>>, vector<16xf32>,
      %add3A_324 = arith.constant 112 : i32
      %add3A_325 = arith.addi %mul3A_243, %add3A_324 : i32
      %add3A_326 = vector.broadcast %add3A_325 : i32 to vector<16xi32>
      %add3A_327 = arith.addi %iota3A, %add3A_326 : vector<16xi32>
      %gt3A_328 = arith.cmpf ogt, %get3A_323, %scan3A_233 : vector<16xf32>
      %select_n3A_329 = arith.select %gt3A_328, %get3A_323, %scan3A_233 : vector<16xi1>, vector<16xf32>
      %select_n3A_330 = arith.select %gt3A_328, %add3A_327, %scan3A_241 : vector<16xi1>, vector<16xi32>
      scf.yield %select_n3A_252, %select_n3A_263, %select_n3A_274, %select_n3A_285, %select_n3A_296, %select_n3A_307, %select_n3A_318, %select_n3A_329, %select_n3A_253, %select_n3A_264, %select_n3A_275, %select_n3A_286, %select_n3A_297, %select_n3A_308, %select_n3A_319, %select_n3A_330 : vector<16xf32>, vector<16xf32>, vector<16xf32>, vector<16xf32>, vector<16xf32>, vector<16xf32>, vector<16xf32>, vector<16xf32>, vector<16xi32>, vector<16xi32>, vector<16xi32>, vector<16xi32>, vector<16xi32>, vector<16xi32>, vector<16xi32>, vector<16xi32>
    }
    %scan3A_64 = arith.constant 255 : i32
    %max3A = arith.maximumf %scan3A_63#0, %scan3A_63#1 : vector<16xf32>
    %max3A_65 = arith.maximumf %max3A, %scan3A_63#2 : vector<16xf32>
    %max3A_66 = arith.maximumf %max3A_65, %scan3A_63#3 : vector<16xf32>
    %max3A_67 = arith.maximumf %max3A_66, %scan3A_63#4 : vector<16xf32>
    %max3A_68 = arith.maximumf %max3A_67, %scan3A_63#5 : vector<16xf32>
    %max3A_69 = arith.maximumf %max3A_68, %scan3A_63#6 : vector<16xf32>
    %max3A_70 = arith.maximumf %max3A_69, %scan3A_63#7 : vector<16xf32>
    %reduce_max3A = arith.constant true
    %reduce_max3A_71 = vector.broadcast %reduce_max3A : i1 to vector<16xi1>
    %reduce_max3A_72 = tpu.scan <max>, %max3A_70 masked %reduce_max3A_71 : vector<16xf32>, vector<16xi1> -> vector<16xf32>
    %reduce_max3A_73 = vector.extract %reduce_max3A_72[15] : f32 from vector<16xf32>
    %broadcast_in_dim3A = arith.constant 1073741824 : i32
    %broadcast_in_dim3A_74 = vector.broadcast %broadcast_in_dim3A : i32 to vector<16xi32>
    %eq3A = vector.broadcast %reduce_max3A_73 : f32 to vector<16xf32>
    %eq3A_75 = arith.cmpf oeq, %scan3A_63#0, %eq3A : vector<16xf32>
    %select_n3A = arith.select %eq3A_75, %scan3A_63#8, %broadcast_in_dim3A_74 : vector<16xi1>, vector<16xi32>
    %min3A = arith.minsi %broadcast_in_dim3A_74, %select_n3A : vector<16xi32>
    %eq3A_76 = vector.broadcast %reduce_max3A_73 : f32 to vector<16xf32>
    %eq3A_77 = arith.cmpf oeq, %scan3A_63#1, %eq3A_76 : vector<16xf32>
    %select_n3A_78 = arith.select %eq3A_77, %scan3A_63#9, %broadcast_in_dim3A_74 : vector<16xi1>, vector<16xi32>
    %min3A_79 = arith.minsi %min3A, %select_n3A_78 : vector<16xi32>
    %eq3A_80 = vector.broadcast %reduce_max3A_73 : f32 to vector<16xf32>
    %eq3A_81 = arith.cmpf oeq, %scan3A_63#2, %eq3A_80 : vector<16xf32>
    %select_n3A_82 = arith.select %eq3A_81, %scan3A_63#10, %broadcast_in_dim3A_74 : vector<16xi1>, vector<16xi32>
    %min3A_83 = arith.minsi %min3A_79, %select_n3A_82 : vector<16xi32>
    %eq3A_84 = vector.broadcast %reduce_max3A_73 : f32 to vector<16xf32>
    %eq3A_85 = arith.cmpf oeq, %scan3A_63#3, %eq3A_84 : vector<16xf32>
    %select_n3A_86 = arith.select %eq3A_85, %scan3A_63#11, %broadcast_in_dim3A_74 : vector<16xi1>, vector<16xi32>
    %min3A_87 = arith.minsi %min3A_83, %select_n3A_86 : vector<16xi32>
    %eq3A_88 = vector.broadcast %reduce_max3A_73 : f32 to vector<16xf32>
    %eq3A_89 = arith.cmpf oeq, %scan3A_63#4, %eq3A_88 : vector<16xf32>
    %select_n3A_90 = arith.select %eq3A_89, %scan3A_63#12, %broadcast_in_dim3A_74 : vector<16xi1>, vector<16xi32>
    %min3A_91 = arith.minsi %min3A_87, %select_n3A_90 : vector<16xi32>
    %eq3A_92 = vector.broadcast %reduce_max3A_73 : f32 to vector<16xf32>
    %eq3A_93 = arith.cmpf oeq, %scan3A_63#5, %eq3A_92 : vector<16xf32>
    %select_n3A_94 = arith.select %eq3A_93, %scan3A_63#13, %broadcast_in_dim3A_74 : vector<16xi1>, vector<16xi32>
    %min3A_95 = arith.minsi %min3A_91, %select_n3A_94 : vector<16xi32>
    %eq3A_96 = vector.broadcast %reduce_max3A_73 : f32 to vector<16xf32>
    %eq3A_97 = arith.cmpf oeq, %scan3A_63#6, %eq3A_96 : vector<16xf32>
    %select_n3A_98 = arith.select %eq3A_97, %scan3A_63#14, %broadcast_in_dim3A_74 : vector<16xi1>, vector<16xi32>
    %min3A_99 = arith.minsi %min3A_95, %select_n3A_98 : vector<16xi32>
    %eq3A_100 = vector.broadcast %reduce_max3A_73 : f32 to vector<16xf32>
    %eq3A_101 = arith.cmpf oeq, %scan3A_63#7, %eq3A_100 : vector<16xf32>
    %select_n3A_102 = arith.select %eq3A_101, %scan3A_63#15, %broadcast_in_dim3A_74 : vector<16xi1>, vector<16xi32>
    %min3A_103 = arith.minsi %min3A_99, %select_n3A_102 : vector<16xi32>
    %reduce_min3A = arith.constant true
    %reduce_min3A_104 = vector.broadcast %reduce_min3A : i1 to vector<16xi1>
    %reduce_min3A_105 = arith.constant -2147483648 : i32
    %reduce_min3A_106 = vector.broadcast %reduce_min3A_105 : i32 to vector<16xi32>
    %reduce_min3A_107 = arith.xori %min3A_103, %reduce_min3A_106 : vector<16xi32>
    %reduce_min3A_108 = tpu.scan <min>, %reduce_min3A_107 masked %reduce_min3A_104 : vector<16xi32>, vector<16xi1> -> vector<16xi32>
    %reduce_min3A_109 = arith.xori %reduce_min3A_108, %reduce_min3A_106 : vector<16xi32>
    %reduce_min3A_110 = vector.extract %reduce_min3A_109[15] : i32 from vector<16xi32>
    %dma_wait3A_111 = arith.constant 0 : i32
    %dma_wait3A_112 = tpu.memref_slice %arg2[%add3A_9, %dma_wait3A_111] : memref<64x32768xf32, #tpu.memory_space<hbm>> -> memref<1x32768xf32, #tpu.memory_space<hbm>>
    %dma_wait3A_113 = tpu.memref_squeeze %dma_wait3A_112 : memref<1x32768xf32, #tpu.memory_space<hbm>> -> memref<32768xf32, #tpu.memory_space<hbm>>
    %dma_wait3A_114 = arith.constant 0 : i32
    %dma_wait3A_115 = tpu.memref_slice %arg2[%add3A_9, %dma_wait3A_114] : memref<64x32768xf32, #tpu.memory_space<hbm>> -> memref<1x32768xf32, #tpu.memory_space<hbm>>
    %dma_wait3A_116 = tpu.memref_squeeze %dma_wait3A_115 : memref<1x32768xf32, #tpu.memory_space<hbm>> -> memref<32768xf32, #tpu.memory_space<hbm>>
    tpu.wait_dma2 semaphore(%arg8 : memref<!tpu.dma_semaphore, #tpu.memory_space<semaphore_mem>>) src(%dma_wait3A_116 : memref<32768xf32, #tpu.memory_space<hbm>>) dst(%arg5 : memref<32768xf32, #tpu.memory_space<vmem>>)
    %iota3A_117 = tpu.iota {dimensions = array<i32: 0>} : vector<16xi32>
    %get3A_118 = arith.constant 0 : index
    %get3A_119 = tpu.vector_load %arg5[%get3A_118] {strides = array<i32>} : memref<32768xf32, #tpu.memory_space<vmem>>, vector<16xf32>,
    %add3A_120 = arith.constant 0 : i32
    %add3A_121 = vector.broadcast %add3A_120 : i32 to vector<16xi32>
    %add3A_122 = arith.addi %iota3A_117, %add3A_121 : vector<16xi32>
    %get3A_123 = arith.constant 16 : index
    %get3A_124 = tpu.vector_load %arg5[%get3A_123] {strides = array<i32>} : memref<32768xf32, #tpu.memory_space<vmem>>, vector<16xf32>,
    %add3A_125 = arith.constant 16 : i32
    %add3A_126 = vector.broadcast %add3A_125 : i32 to vector<16xi32>
    %add3A_127 = arith.addi %iota3A_117, %add3A_126 : vector<16xi32>
    %get3A_128 = arith.constant 32 : index
    %get3A_129 = tpu.vector_load %arg5[%get3A_128] {strides = array<i32>} : memref<32768xf32, #tpu.memory_space<vmem>>, vector<16xf32>,
    %add3A_130 = arith.constant 32 : i32
    %add3A_131 = vector.broadcast %add3A_130 : i32 to vector<16xi32>
    %add3A_132 = arith.addi %iota3A_117, %add3A_131 : vector<16xi32>
    %get3A_133 = arith.constant 48 : index
    %get3A_134 = tpu.vector_load %arg5[%get3A_133] {strides = array<i32>} : memref<32768xf32, #tpu.memory_space<vmem>>, vector<16xf32>,
    %add3A_135 = arith.constant 48 : i32
    %add3A_136 = vector.broadcast %add3A_135 : i32 to vector<16xi32>
    %add3A_137 = arith.addi %iota3A_117, %add3A_136 : vector<16xi32>
    %get3A_138 = arith.constant 64 : index
    %get3A_139 = tpu.vector_load %arg5[%get3A_138] {strides = array<i32>} : memref<32768xf32, #tpu.memory_space<vmem>>, vector<16xf32>,
    %add3A_140 = arith.constant 64 : i32
    %add3A_141 = vector.broadcast %add3A_140 : i32 to vector<16xi32>
    %add3A_142 = arith.addi %iota3A_117, %add3A_141 : vector<16xi32>
    %get3A_143 = arith.constant 80 : index
    %get3A_144 = tpu.vector_load %arg5[%get3A_143] {strides = array<i32>} : memref<32768xf32, #tpu.memory_space<vmem>>, vector<16xf32>,
    %add3A_145 = arith.constant 80 : i32
    %add3A_146 = vector.broadcast %add3A_145 : i32 to vector<16xi32>
    %add3A_147 = arith.addi %iota3A_117, %add3A_146 : vector<16xi32>
    %get3A_148 = arith.constant 96 : index
    %get3A_149 = tpu.vector_load %arg5[%get3A_148] {strides = array<i32>} : memref<32768xf32, #tpu.memory_space<vmem>>, vector<16xf32>,
    %add3A_150 = arith.constant 96 : i32
    %add3A_151 = vector.broadcast %add3A_150 : i32 to vector<16xi32>
    %add3A_152 = arith.addi %iota3A_117, %add3A_151 : vector<16xi32>
    %get3A_153 = arith.constant 112 : index
    %get3A_154 = tpu.vector_load %arg5[%get3A_153] {strides = array<i32>} : memref<32768xf32, #tpu.memory_space<vmem>>, vector<16xf32>,
    %add3A_155 = arith.constant 112 : i32
    %add3A_156 = vector.broadcast %add3A_155 : i32 to vector<16xi32>
    %add3A_157 = arith.addi %iota3A_117, %add3A_156 : vector<16xi32>
    %scan3A_158 = arith.constant 1 : i32
    %scan3A_159 = arith.constant 255 : i32
    %scan3A_160 = arith.addi %scan3A_158, %scan3A_159 : i32
    %scan3A_161 = arith.constant 1 : i32
    %scan3A_162:16 = scf.for %scan3A_225 = %scan3A_158 to %scan3A_160 step %scan3A_161 iter_args(%scan3A_226 = %get3A_119, %scan3A_227 = %get3A_124, %scan3A_228 = %get3A_129, %scan3A_229 = %get3A_134, %scan3A_230 = %get3A_139, %scan3A_231 = %get3A_144, %scan3A_232 = %get3A_149, %scan3A_233 = %get3A_154, %scan3A_234 = %add3A_122, %scan3A_235 = %add3A_127, %scan3A_236 = %add3A_132, %scan3A_237 = %add3A_137, %scan3A_238 = %add3A_142, %scan3A_239 = %add3A_147, %scan3A_240 = %add3A_152, %scan3A_241 = %add3A_157) -> (vector<16xf32>, vector<16xf32>, vector<16xf32>, vector<16xf32>, vector<16xf32>, vector<16xf32>, vector<16xf32>, vector<16xf32>, vector<16xi32>, vector<16xi32>, vector<16xi32>, vector<16xi32>, vector<16xi32>, vector<16xi32>, vector<16xi32>, vector<16xi32>)  : i32 {
      %mul3A_242 = arith.constant 128 : i32
      %mul3A_243 = arith.muli %scan3A_225, %mul3A_242 : i32
      %add3A_244 = arith.constant 0 : i32
      %add3A_245 = arith.addi %mul3A_243, %add3A_244 : i32
      %get3A_246 = arith.index_cast %add3A_245 : i32 to index
      %get3A_247 = tpu.vector_load %arg5[%get3A_246] {strides = array<i32>} : memref<32768xf32, #tpu.memory_space<vmem>>, vector<16xf32>,
      %add3A_248 = arith.constant 0 : i32
      %add3A_249 = arith.addi %mul3A_243, %add3A_248 : i32
      %add3A_250 = vector.broadcast %add3A_249 : i32 to vector<16xi32>
      %add3A_251 = arith.addi %iota3A_117, %add3A_250 : vector<16xi32>
      %gt3A = arith.cmpf ogt, %get3A_247, %scan3A_226 : vector<16xf32>
      %select_n3A_252 = arith.select %gt3A, %get3A_247, %scan3A_226 : vector<16xi1>, vector<16xf32>
      %select_n3A_253 = arith.select %gt3A, %add3A_251, %scan3A_234 : vector<16xi1>, vector<16xi32>
      %add3A_254 = arith.constant 16 : i32
      %add3A_255 = arith.addi %mul3A_243, %add3A_254 : i32
      %get3A_256 = arith.index_cast %add3A_255 : i32 to index
      %get3A_257 = tpu.vector_load %arg5[%get3A_256] {strides = array<i32>} : memref<32768xf32, #tpu.memory_space<vmem>>, vector<16xf32>,
      %add3A_258 = arith.constant 16 : i32
      %add3A_259 = arith.addi %mul3A_243, %add3A_258 : i32
      %add3A_260 = vector.broadcast %add3A_259 : i32 to vector<16xi32>
      %add3A_261 = arith.addi %iota3A_117, %add3A_260 : vector<16xi32>
      %gt3A_262 = arith.cmpf ogt, %get3A_257, %scan3A_227 : vector<16xf32>
      %select_n3A_263 = arith.select %gt3A_262, %get3A_257, %scan3A_227 : vector<16xi1>, vector<16xf32>
      %select_n3A_264 = arith.select %gt3A_262, %add3A_261, %scan3A_235 : vector<16xi1>, vector<16xi32>
      %add3A_265 = arith.constant 32 : i32
      %add3A_266 = arith.addi %mul3A_243, %add3A_265 : i32
      %get3A_267 = arith.index_cast %add3A_266 : i32 to index
      %get3A_268 = tpu.vector_load %arg5[%get3A_267] {strides = array<i32>} : memref<32768xf32, #tpu.memory_space<vmem>>, vector<16xf32>,
      %add3A_269 = arith.constant 32 : i32
      %add3A_270 = arith.addi %mul3A_243, %add3A_269 : i32
      %add3A_271 = vector.broadcast %add3A_270 : i32 to vector<16xi32>
      %add3A_272 = arith.addi %iota3A_117, %add3A_271 : vector<16xi32>
      %gt3A_273 = arith.cmpf ogt, %get3A_268, %scan3A_228 : vector<16xf32>
      %select_n3A_274 = arith.select %gt3A_273, %get3A_268, %scan3A_228 : vector<16xi1>, vector<16xf32>
      %select_n3A_275 = arith.select %gt3A_273, %add3A_272, %scan3A_236 : vector<16xi1>, vector<16xi32>
      %add3A_276 = arith.constant 48 : i32
      %add3A_277 = arith.addi %mul3A_243, %add3A_276 : i32
      %get3A_278 = arith.index_cast %add3A_277 : i32 to index
      %get3A_279 = tpu.vector_load %arg5[%get3A_278] {strides = array<i32>} : memref<32768xf32, #tpu.memory_space<vmem>>, vector<16xf32>,
      %add3A_280 = arith.constant 48 : i32
      %add3A_281 = arith.addi %mul3A_243, %add3A_280 : i32
      %add3A_282 = vector.broadcast %add3A_281 : i32 to vector<16xi32>
      %add3A_283 = arith.addi %iota3A_117, %add3A_282 : vector<16xi32>
      %gt3A_284 = arith.cmpf ogt, %get3A_279, %scan3A_229 : vector<16xf32>
      %select_n3A_285 = arith.select %gt3A_284, %get3A_279, %scan3A_229 : vector<16xi1>, vector<16xf32>
      %select_n3A_286 = arith.select %gt3A_284, %add3A_283, %scan3A_237 : vector<16xi1>, vector<16xi32>
      %add3A_287 = arith.constant 64 : i32
      %add3A_288 = arith.addi %mul3A_243, %add3A_287 : i32
      %get3A_289 = arith.index_cast %add3A_288 : i32 to index
      %get3A_290 = tpu.vector_load %arg5[%get3A_289] {strides = array<i32>} : memref<32768xf32, #tpu.memory_space<vmem>>, vector<16xf32>,
      %add3A_291 = arith.constant 64 : i32
      %add3A_292 = arith.addi %mul3A_243, %add3A_291 : i32
      %add3A_293 = vector.broadcast %add3A_292 : i32 to vector<16xi32>
      %add3A_294 = arith.addi %iota3A_117, %add3A_293 : vector<16xi32>
      %gt3A_295 = arith.cmpf ogt, %get3A_290, %scan3A_230 : vector<16xf32>
      %select_n3A_296 = arith.select %gt3A_295, %get3A_290, %scan3A_230 : vector<16xi1>, vector<16xf32>
      %select_n3A_297 = arith.select %gt3A_295, %add3A_294, %scan3A_238 : vector<16xi1>, vector<16xi32>
      %add3A_298 = arith.constant 80 : i32
      %add3A_299 = arith.addi %mul3A_243, %add3A_298 : i32
      %get3A_300 = arith.index_cast %add3A_299 : i32 to index
      %get3A_301 = tpu.vector_load %arg5[%get3A_300] {strides = array<i32>} : memref<32768xf32, #tpu.memory_space<vmem>>, vector<16xf32>,
      %add3A_302 = arith.constant 80 : i32
      %add3A_303 = arith.addi %mul3A_243, %add3A_302 : i32
      %add3A_304 = vector.broadcast %add3A_303 : i32 to vector<16xi32>
      %add3A_305 = arith.addi %iota3A_117, %add3A_304 : vector<16xi32>
      %gt3A_306 = arith.cmpf ogt, %get3A_301, %scan3A_231 : vector<16xf32>
      %select_n3A_307 = arith.select %gt3A_306, %get3A_301, %scan3A_231 : vector<16xi1>, vector<16xf32>
      %select_n3A_308 = arith.select %gt3A_306, %add3A_305, %scan3A_239 : vector<16xi1>, vector<16xi32>
      %add3A_309 = arith.constant 96 : i32
      %add3A_310 = arith.addi %mul3A_243, %add3A_309 : i32
      %get3A_311 = arith.index_cast %add3A_310 : i32 to index
      %get3A_312 = tpu.vector_load %arg5[%get3A_311] {strides = array<i32>} : memref<32768xf32, #tpu.memory_space<vmem>>, vector<16xf32>,
      %add3A_313 = arith.constant 96 : i32
      %add3A_314 = arith.addi %mul3A_243, %add3A_313 : i32
      %add3A_315 = vector.broadcast %add3A_314 : i32 to vector<16xi32>
      %add3A_316 = arith.addi %iota3A_117, %add3A_315 : vector<16xi32>
      %gt3A_317 = arith.cmpf ogt, %get3A_312, %scan3A_232 : vector<16xf32>
      %select_n3A_318 = arith.select %gt3A_317, %get3A_312, %scan3A_232 : vector<16xi1>, vector<16xf32>
      %select_n3A_319 = arith.select %gt3A_317, %add3A_316, %scan3A_240 : vector<16xi1>, vector<16xi32>
      %add3A_320 = arith.constant 112 : i32
      %add3A_321 = arith.addi %mul3A_243, %add3A_320 : i32
      %get3A_322 = arith.index_cast %add3A_321 : i32 to index
      %get3A_323 = tpu.vector_load %arg5[%get3A_322] {strides = array<i32>} : memref<32768xf32, #tpu.memory_space<vmem>>, vector<16xf32>,
      %add3A_324 = arith.constant 112 : i32
      %add3A_325 = arith.addi %mul3A_243, %add3A_324 : i32
      %add3A_326 = vector.broadcast %add3A_325 : i32 to vector<16xi32>
      %add3A_327 = arith.addi %iota3A_117, %add3A_326 : vector<16xi32>
      %gt3A_328 = arith.cmpf ogt, %get3A_323, %scan3A_233 : vector<16xf32>
      %select_n3A_329 = arith.select %gt3A_328, %get3A_323, %scan3A_233 : vector<16xi1>, vector<16xf32>
      %select_n3A_330 = arith.select %gt3A_328, %add3A_327, %scan3A_241 : vector<16xi1>, vector<16xi32>
      scf.yield %select_n3A_252, %select_n3A_263, %select_n3A_274, %select_n3A_285, %select_n3A_296, %select_n3A_307, %select_n3A_318, %select_n3A_329, %select_n3A_253, %select_n3A_264, %select_n3A_275, %select_n3A_286, %select_n3A_297, %select_n3A_308, %select_n3A_319, %select_n3A_330 : vector<16xf32>, vector<16xf32>, vector<16xf32>, vector<16xf32>, vector<16xf32>, vector<16xf32>, vector<16xf32>, vector<16xf32>, vector<16xi32>, vector<16xi32>, vector<16xi32>, vector<16xi32>, vector<16xi32>, vector<16xi32>, vector<16xi32>, vector<16xi32>
    }
    %scan3A_163 = arith.constant 255 : i32
    %max3A_164 = arith.maximumf %scan3A_162#0, %scan3A_162#1 : vector<16xf32>
    %max3A_165 = arith.maximumf %max3A_164, %scan3A_162#2 : vector<16xf32>
    %max3A_166 = arith.maximumf %max3A_165, %scan3A_162#3 : vector<16xf32>
    %max3A_167 = arith.maximumf %max3A_166, %scan3A_162#4 : vector<16xf32>
    %max3A_168 = arith.maximumf %max3A_167, %scan3A_162#5 : vector<16xf32>
    %max3A_169 = arith.maximumf %max3A_168, %scan3A_162#6 : vector<16xf32>
    %max3A_170 = arith.maximumf %max3A_169, %scan3A_162#7 : vector<16xf32>
    %reduce_max3A_171 = arith.constant true
    %reduce_max3A_172 = vector.broadcast %reduce_max3A_171 : i1 to vector<16xi1>
    %reduce_max3A_173 = tpu.scan <max>, %max3A_170 masked %reduce_max3A_172 : vector<16xf32>, vector<16xi1> -> vector<16xf32>
    %reduce_max3A_174 = vector.extract %reduce_max3A_173[15] : f32 from vector<16xf32>
    %broadcast_in_dim3A_175 = arith.constant 1073741824 : i32
    %broadcast_in_dim3A_176 = vector.broadcast %broadcast_in_dim3A_175 : i32 to vector<16xi32>
    %eq3A_177 = vector.broadcast %reduce_max3A_174 : f32 to vector<16xf32>
    %eq3A_178 = arith.cmpf oeq, %scan3A_162#0, %eq3A_177 : vector<16xf32>
    %select_n3A_179 = arith.select %eq3A_178, %scan3A_162#8, %broadcast_in_dim3A_176 : vector<16xi1>, vector<16xi32>
    %min3A_180 = arith.minsi %broadcast_in_dim3A_176, %select_n3A_179 : vector<16xi32>
    %eq3A_181 = vector.broadcast %reduce_max3A_174 : f32 to vector<16xf32>
    %eq3A_182 = arith.cmpf oeq, %scan3A_162#1, %eq3A_181 : vector<16xf32>
    %select_n3A_183 = arith.select %eq3A_182, %scan3A_162#9, %broadcast_in_dim3A_176 : vector<16xi1>, vector<16xi32>
    %min3A_184 = arith.minsi %min3A_180, %select_n3A_183 : vector<16xi32>
    %eq3A_185 = vector.broadcast %reduce_max3A_174 : f32 to vector<16xf32>
    %eq3A_186 = arith.cmpf oeq, %scan3A_162#2, %eq3A_185 : vector<16xf32>
    %select_n3A_187 = arith.select %eq3A_186, %scan3A_162#10, %broadcast_in_dim3A_176 : vector<16xi1>, vector<16xi32>
    %min3A_188 = arith.minsi %min3A_184, %select_n3A_187 : vector<16xi32>
    %eq3A_189 = vector.broadcast %reduce_max3A_174 : f32 to vector<16xf32>
    %eq3A_190 = arith.cmpf oeq, %scan3A_162#3, %eq3A_189 : vector<16xf32>
    %select_n3A_191 = arith.select %eq3A_190, %scan3A_162#11, %broadcast_in_dim3A_176 : vector<16xi1>, vector<16xi32>
    %min3A_192 = arith.minsi %min3A_188, %select_n3A_191 : vector<16xi32>
    %eq3A_193 = vector.broadcast %reduce_max3A_174 : f32 to vector<16xf32>
    %eq3A_194 = arith.cmpf oeq, %scan3A_162#4, %eq3A_193 : vector<16xf32>
    %select_n3A_195 = arith.select %eq3A_194, %scan3A_162#12, %broadcast_in_dim3A_176 : vector<16xi1>, vector<16xi32>
    %min3A_196 = arith.minsi %min3A_192, %select_n3A_195 : vector<16xi32>
    %eq3A_197 = vector.broadcast %reduce_max3A_174 : f32 to vector<16xf32>
    %eq3A_198 = arith.cmpf oeq, %scan3A_162#5, %eq3A_197 : vector<16xf32>
    %select_n3A_199 = arith.select %eq3A_198, %scan3A_162#13, %broadcast_in_dim3A_176 : vector<16xi1>, vector<16xi32>
    %min3A_200 = arith.minsi %min3A_196, %select_n3A_199 : vector<16xi32>
    %eq3A_201 = vector.broadcast %reduce_max3A_174 : f32 to vector<16xf32>
    %eq3A_202 = arith.cmpf oeq, %scan3A_162#6, %eq3A_201 : vector<16xf32>
    %select_n3A_203 = arith.select %eq3A_202, %scan3A_162#14, %broadcast_in_dim3A_176 : vector<16xi1>, vector<16xi32>
    %min3A_204 = arith.minsi %min3A_200, %select_n3A_203 : vector<16xi32>
    %eq3A_205 = vector.broadcast %reduce_max3A_174 : f32 to vector<16xf32>
    %eq3A_206 = arith.cmpf oeq, %scan3A_162#7, %eq3A_205 : vector<16xf32>
    %select_n3A_207 = arith.select %eq3A_206, %scan3A_162#15, %broadcast_in_dim3A_176 : vector<16xi1>, vector<16xi32>
    %min3A_208 = arith.minsi %min3A_204, %select_n3A_207 : vector<16xi32>
    %reduce_min3A_209 = arith.constant true
    %reduce_min3A_210 = vector.broadcast %reduce_min3A_209 : i1 to vector<16xi1>
    %reduce_min3A_211 = arith.constant -2147483648 : i32
    %reduce_min3A_212 = vector.broadcast %reduce_min3A_211 : i32 to vector<16xi32>
    %reduce_min3A_213 = arith.xori %min3A_208, %reduce_min3A_212 : vector<16xi32>
    %reduce_min3A_214 = tpu.scan <min>, %reduce_min3A_213 masked %reduce_min3A_210 : vector<16xi32>, vector<16xi1> -> vector<16xi32>
    %reduce_min3A_215 = arith.xori %reduce_min3A_214, %reduce_min3A_212 : vector<16xi32>
    %reduce_min3A_216 = vector.extract %reduce_min3A_215[15] : i32 from vector<16xi32>
    %iota3A_217 = tpu.iota {dimensions = array<i32: 0>} : vector<16xi32>
    %eq3A_218 = arith.constant 0 : i32
    %eq3A_219 = vector.broadcast %eq3A_218 : i32 to vector<16xi32>
    %eq3A_220 = arith.cmpi eq, %iota3A_217, %eq3A_219 : vector<16xi32>
    %broadcast_in_dim3A_221 = vector.broadcast %reduce_min3A_110 : i32 to vector<16xi32>
    %broadcast_in_dim3A_222 = vector.broadcast %reduce_min3A_216 : i32 to vector<16xi32>
    %select_n3A_223 = arith.select %eq3A_220, %broadcast_in_dim3A_221, %broadcast_in_dim3A_222 : vector<16xi1>, vector<16xi32>
    %swap3A = arith.constant 0 : index
    %swap3A_224 = tpu.vector_load %arg6[%swap3A] {strides = array<i32>} : memref<16xi32, #tpu.memory_space<vmem>>, vector<16xi32>,
    tpu.vector_store %arg6[%swap3A], %select_n3A_223 {strides = array<i32>} : memref<16xi32, #tpu.memory_space<vmem>>, vector<16xi32>,
    "tpu.region"() ({
      %run_scoped3A = tpu.sem_alloc : memref<!tpu.dma_semaphore, #tpu.memory_space<semaphore_mem>>
      %dma_start3A_225 = arith.constant 0 : i32
      %dma_start3A_226 = tpu.memref_slice %arg3[%add3A, %dma_start3A_225] : memref<32x16xi32, #tpu.memory_space<hbm>> -> memref<1x16xi32, #tpu.memory_space<hbm>>
      %dma_start3A_227 = tpu.memref_squeeze %dma_start3A_226 : memref<1x16xi32, #tpu.memory_space<hbm>> -> memref<16xi32, #tpu.memory_space<hbm>>
      %dma_start3A_228 = arith.constant 0 : i32
      %dma_start3A_229 = tpu.memref_slice %arg3[%add3A, %dma_start3A_228] : memref<32x16xi32, #tpu.memory_space<hbm>> -> memref<1x16xi32, #tpu.memory_space<hbm>>
      %dma_start3A_230 = tpu.memref_squeeze %dma_start3A_229 : memref<1x16xi32, #tpu.memory_space<hbm>> -> memref<16xi32, #tpu.memory_space<hbm>>
      tpu.enqueue_dma source(%arg6 : memref<16xi32, #tpu.memory_space<vmem>>) target(%dma_start3A_230 : memref<16xi32, #tpu.memory_space<hbm>>) target_semaphore(%run_scoped3A : memref<!tpu.dma_semaphore, #tpu.memory_space<semaphore_mem>>)
      %dma_wait3A_231 = arith.constant 0 : i32
      %dma_wait3A_232 = tpu.memref_slice %arg3[%add3A, %dma_wait3A_231] : memref<32x16xi32, #tpu.memory_space<hbm>> -> memref<1x16xi32, #tpu.memory_space<hbm>>
      %dma_wait3A_233 = tpu.memref_squeeze %dma_wait3A_232 : memref<1x16xi32, #tpu.memory_space<hbm>> -> memref<16xi32, #tpu.memory_space<hbm>>
      %dma_wait3A_234 = arith.constant 0 : i32
      %dma_wait3A_235 = tpu.memref_slice %arg3[%add3A, %dma_wait3A_234] : memref<32x16xi32, #tpu.memory_space<hbm>> -> memref<1x16xi32, #tpu.memory_space<hbm>>
      %dma_wait3A_236 = tpu.memref_squeeze %dma_wait3A_235 : memref<1x16xi32, #tpu.memory_space<hbm>> -> memref<16xi32, #tpu.memory_space<hbm>>
      tpu.wait_dma2 semaphore(%run_scoped3A : memref<!tpu.dma_semaphore, #tpu.memory_space<semaphore_mem>>) src(%arg6 : memref<16xi32, #tpu.memory_space<vmem>>) dst(%dma_wait3A_236 : memref<16xi32, #tpu.memory_space<hbm>>)
      tpu.yield
    }) : () -> ()
    return
  }
}

</mosaic_0001>

<sc_bundles>
// kernel: kernel.3.cloned.1.call-start
scs
__scs_entry_jumppad:
0x0: {  	(pc) =	sbr.rel $0x88, $3  }
0x1: {  	(tag) =	ssettag $0x0;
	lr =	simm.s32 $0x1  }
0x2: {  	[smem:$0x3FA0] =	sst lr;
	_ =	strace $0xD0000000  }
0x3: {  	_ = 	snop  }
0x4: {  	_ = 	snop  }
0x5: {  	_ = 	snop  }
0x6: {  	_ = 	snop  }
0x7: {  	_ = 	snop  }
__scs_overlays_trampoline_lowered:
0x8: {  	[smem:$0x3FAF] =	sst s0  }
0x9: {  	[smem:$0x3FB0] =	sst s1  }
0xa: {  	[smem:$0x3FB1] =	sst s2  }
0xb: {  	[smem:$0x3FB2] =	sst s3  }
0xc: {  	[smem:$0x3FB3] =	sst s4  }
0xd: {  	[smem:$0x3FB4] =	sst s5  }
0xe: {  	[smem:$0x3FB5] =	sst s6  }
0xf: {  	[smem:$0x3FB6] =	sst s7  }
0x10: {  	[smem:$0x3FB7] =	sst s8  }
0x11: {  	[smem:$0x3FB8] =	sst s9;
	s0 =	simm.s32 @!p0 $0x0  }
0x12: {  	s1 =	sld [smem:$0x3F9E];
	s0 =	simm.s32 @p0 $0x1  }
0x13: {  	[smem:$0x3FB9] =	sst s0;
	s0 =	simm.s32 @!p1 $0x0  }
0x14: {  	s2 =	sld [smem:$0x3F9D];
	s0 =	simm.s32 @p1 $0x1  }
0x15: {  	[smem:$0x3FBA] =	sst s0;
	s0 =	simm.s32 @!p2 $0x0  }
0x16: {  	s3 =	sld [smem:$0x3FDB];
	s0 =	simm.s32 @p2 $0x1  }
0x17: {  	s4 =	simm.s32 $0x1BF5;
	[smem:$0x3FBC] =	sst s0  }
0x18: {  	s0 =	sld [smem:$0x3F9F];
	_ =	swait.ge [sflag:s4], $0x0  }
0x19: {  	s7 =	sld [smem:$0x3FA0]  }
0x1a: {  	s8 =	sadd.s32 $0xFFFFE003, lr  }
0x1b: {  	s9 =	sadd.s32 $0xFFFFFEF7, lr;
	s5 =	simm.s32 $0xFFFFFFFF;
	p2 =	slt.u32 s8, $0xFFFFF086  }
0x1c: {  	p1 =	slt.u32 s9, $0xF7A;
	s5 =	simm.s32 @!p2 $0x0  }
0x1d: {  	s5 =	simm.s32 @p1 $0x1;
	p0 =	seq.s32 s7, s2  }
0x1e: {  	s7 =	smul.u32 @!p0 $0xF7A, s2;
	p2 =	seq.s32 @!p0 s5, $0x0  }
0x1f: {  	s9 =	smul.u32 $0xF7A, s1;
	s8 =	simm.s32 @!p0 $0x1BF5;
	p2 =	por !p2, p0  }
0x20: {  	[sflag:s8] =	ssyncset.s32 @!p0 $0xFFFFF086;
	s6 =	sadd.s32 @!p0 s3, s7;
	s7 =	simm.s32 @!p0 $0x108  }
0x21: {  	s3 =	sadd.s32 s3, s9;
	s6 =	sadd.s32 @!p0 $0x88, s6;
	s7 =	simm.s32 @p2 $0x1082  }
0x22: {  	[simem:s7], [sflag:s8] =	dma.local @!p0 [hbm:s6], $0xF7A  }
0x23: {  	s9 =	sor.u32 $0xD0000000, s2;
	s6 =	simm.s32 $0x108;
	_ =	swait.ge @!p0 [sflag:s8], $0x0  }
0x24: {  	s3 =	sadd.s32 $0x88, s3;
	s6 =	simm.s32 @!p1 $0x1082;
	[sflag:s4] =	ssyncset.s32 $0xFFFFF086  }
0x25: {  	[simem:s6], [sflag:s4] =	dma.local [hbm:s3], $0xF7A  }
0x26: {  	[smem:$0x3FA0] =	sst s1;
	(tag) =	ssettag s2;
	_ =	strace s9  }
0x27: {  	s1 =	sld [smem:$0x3FB0]  }
0x28: {  	s2 =	sld [smem:$0x3FB1]  }
0x29: {  	s4 =	sld [smem:$0x3FB3]  }
0x2a: {  	p0 =	seq.s32 s5, $0x0;
	s5 =	sld [smem:$0x3FB4]  }
0x2b: {  	s6 =	sld [smem:$0x3FB5]  }
0x2c: {  	s7 =	sld [smem:$0x3FB6]  }
0x2d: {  	s3 =	simm.s32 $0x108;
	s8 =	sld [smem:$0x3FB7]  }
0x2e: {  	s3 =	simm.s32 @!p0 $0x1082;
	s9 =	sld [smem:$0x3FB8]  }
0x2f: {  	lr =	sadd.s32 s0, s3;
	s0 =	sld [smem:$0x3FAF]  }
0x30: {  	s3 =	sld [smem:$0x3FB2]  }
0x31: {  	[smem:$0x3FBB] =	sst s10  }
0x32: {  	s10 =	sld [smem:$0x3FB9];
	_ =	sdelay $0x3  }
0x33: {  	p0 =	seq.s32 s10, $0x1;
	s10 =	sld [smem:$0x3FBB];
	_ =	sdelay $0x3  }
0x34: {  	[smem:$0x3FBB] =	sst s10  }
0x35: {  	s10 =	sld [smem:$0x3FBA];
	_ =	sdelay $0x3  }
0x36: {  	p1 =	seq.s32 s10, $0x1;
	s10 =	sld [smem:$0x3FBB];
	_ =	sdelay $0x3  }
0x37: {  	[smem:$0x3FBB] =	sst s10  }
0x38: {  	s10 =	sld [smem:$0x3FBC]  }
0x39: {  	_ = 	snop;
	(pc) =	sbr.ind lr, $3  }
0x3a: {  	_ = 	snop  }
0x3b: {  	_ = 	snop  }
0x3c: {  	p2 =	seq.s32 s10, $0x1;
	s10 =	sld [smem:$0x3FBB]  }
0x3d: {  	_ =	shalt  }
0x3e: {  	_ =	shalt  }
0x3f: {  	_ =	shalt  }
0x40: {  	_ =	shalt  }
0x41: {  	_ =	shalt  }
0x42: {  	_ =	shalt  }
0x43: {  	_ =	shalt  }
0x44: {  	_ =	shalt  }
0x45: {  	_ =	shalt  }
0x46: {  	_ =	shalt  }
0x47: {  	_ =	shalt  }
0x48: {  	_ =	shalt  }
0x49: {  	_ =	shalt  }
0x4a: {  	_ =	shalt  }
0x4b: {  	_ =	shalt  }
0x4c: {  	_ =	shalt  }
0x4d: {  	_ =	shalt  }
0x4e: {  	_ =	shalt  }
0x4f: {  	_ =	shalt  }
0x50: {  	_ =	shalt  }
0x51: {  	_ =	shalt  }
0x52: {  	_ =	shalt  }
0x53: {  	_ =	shalt  }
0x54: {  	_ =	shalt  }
0x55: {  	_ =	shalt  }
0x56: {  	_ =	shalt  }
0x57: {  	_ =	shalt  }
0x58: {  	_ =	shalt  }
0x59: {  	_ =	shalt  }
0x5a: {  	_ =	shalt  }
0x5b: {  	_ =	shalt  }
0x5c: {  	_ =	shalt  }
0x5d: {  	_ =	shalt  }
0x5e: {  	_ =	shalt  }
0x5f: {  	_ =	shalt  }
0x60: {  	_ =	shalt  }
0x61: {  	_ =	shalt  }
0x62: {  	_ =	shalt  }
0x63: {  	_ =	shalt  }
0x64: {  	_ =	shalt  }
0x65: {  	_ =	shalt  }
0x66: {  	_ =	shalt  }
0x67: {  	_ =	shalt  }
0x68: {  	_ =	shalt  }
0x69: {  	_ =	shalt  }
0x6a: {  	_ =	shalt  }
0x6b: {  	_ =	shalt  }
0x6c: {  	_ =	shalt  }
0x6d: {  	_ =	shalt  }
0x6e: {  	_ =	shalt  }
0x6f: {  	_ =	shalt  }
0x70: {  	_ =	shalt  }
0x71: {  	_ =	shalt  }
0x72: {  	_ =	shalt  }
0x73: {  	_ =	shalt  }
0x74: {  	_ =	shalt  }
0x75: {  	_ =	shalt  }
0x76: {  	_ =	shalt  }
0x77: {  	_ =	shalt  }
0x78: {  	_ =	shalt  }
0x79: {  	_ =	shalt  }
0x7a: {  	_ =	shalt  }
0x7b: {  	_ =	shalt  }
0x7c: {  	_ =	shalt  }
0x7d: {  	_ =	shalt  }
0x7e: {  	_ =	shalt  }
0x7f: {  	_ =	shalt  }
0x80: {  	_ =	shalt  }
0x81: {  	_ =	shalt  }
0x82: {  	_ =	shalt  }
0x83: {  	_ =	shalt  }
0x84: {  	_ =	shalt  }
0x85: {  	_ =	shalt  }
0x86: {  	_ =	shalt  }
0x87: {  	_ =	shalt  }
.Lfunc_end0:
.L_simem_size_0:
called_computation_lowered:
.L_overlay_start_0:
0x88: {  	s2 =	sld [smem:$0x3FD9]  }
0x89: {  	s3 =	sld [smem:$0x3FFE];
	_ =	sdelay $0x1  }
0x8a: {  	s1 =	srdreg.scid  }
0x8b: {  	s0 =	sand.u32 $0x1, s1  }
0x8c: {  	s17 =	sshll.u32 s0, $0xA;
	s2 =	sadd.s32 s3, s2  }
0x8d: {  	s2 =	sadd.s32 s2, s17  }
0x8e: {  	[smem:$0x3FC7] =	sst s2  }
0x8f: {  	_ = 	snop  }
0x90: {  	s2 =	sld [smem:$0x3FC9];
	(tm) =	ssettm $0x1  }
0x91: {  	s18 =	sld [smem:$0x3FFB];
	_ =	sdelay $0x3  }
0x92: {  	_ =	strace s18  }
0x93: {  	s3 =	sld [smem:$0x3FFC];
	_ =	sdelay $0x3  }
0x94: {  	_ =	strace s3  }
0x95: {  	s3 =	sld [smem:$0x3FFD];
	_ =	sdelay $0x3  }
0x96: {  	_ =	strace s3  }
0x97: {  	_ =	strace $0x8FFFFFFF  }
0x98: {  	s19 =	sld [smem:$0x3FDB];
	_ =	sdelay $0x1  }
0x99: {  	s4 =	simm.s32 $_scs_section_size  }
0x9a: {  	s5 =	simm.s32 $_size__tile_overlayer_lowered;
	s6 =	simm.s32 $_tile_overlayer_lowered  }
0x9b: {  	s22 =	simm.s32 $0x1BFF;
	s21 =	sshll.u32 s6, $0x1;
	s3 =	sadd.s32 s4, s19  }
0x9c: {  	s7 =	simm.s32 $0x0;
	s20 =	sshll.u32 s5, $0x1;
	s5 =	sadd.s32 s21, s3  }
0x9d: {  	[timem:s7], [sflag:s22] =	dma.local [hbm:s5], s20  }
0x9e: {  	_ =	swait.ge [sflag:s22], s20  }
0x9f: {  	s4 =	ssub.s32 $0x0, s20;
	[sflag:s22] =	ssyncset.done $0x0  }
0xa0: {  	[sflag:s22] =	ssyncadd.s32 s4;
	_ =	sdelay $0x1  }
0xa1: {  	s23 =	simm.s32 $0x1B8B  }
0xa2: {  	_ =	swait.ge [sflag:s23], $0x1  }
0xa3: {  	[sflag:s23] =	ssyncset.done $0x0  }
0xa4: {  	s25 =	simm.s32 $0x1B8E;
	s24 =	sld [smem:$0x3FFE];
	[sflag:s23] =	ssyncadd.s32 $0xFFFFFFFF  }
0xa5: {  	s26 =	simm.s32 $execute0_lowered;
	[smem:$0x3FD2] =	sst s25  }
0xa6: {  	s5 =	sshll.u32 s26, $0x1;
	_ =	strace $0x80000046;
	[dreg:$0x1] =	wrdreg $0xFFFFFFFF  }
0xa7: {  	s28 =	simm.s32 $_size_execute0_lowered;
	s3 =	sadd.s32 s3, s5;
	[dreg:$0x0] =	wrdreg $0x0  }
0xa8: {  	s5 =	sshll.u32 s28, $0x1;
	[dreg:$0x2] =	wrdreg s3  }
0xa9: {  	[dreg:$0x3] =	wrdreg s5  }
0xaa: {  	[dreg:$0x4] =	wrdreg $0xC0  }
0xab: {  	_ =	task [dreg:s7], $0x5FFFF  }
0xac: {  	[dreg:$0x1] =	wrdreg $0xFFFFFFFF  }
0xad: {  	[dreg:$0x0] =	wrdreg $0x60  }
0xae: {  	[dreg:$0x2] =	wrdreg s2  }
0xaf: {  	[dreg:$0x3] =	wrdreg s24  }
0xb0: {  	[dreg:$0x4] =	wrdreg $0x9  }
0xb1: {  	_ =	task.clear_ibuf [dreg:s7], $0x5FFFF;
	_ =	strace $0x90000046  }
0xb2: {  	s29 =	simm.s32 $0x9;
	_ =	strace $0x80000048  }
0xb3: {  	_ =	swait.ge [sflag:s29], $0x1  }
0xb4: {  	[sflag:s29] =	ssyncadd.s32 $0xFFFFFFFF  }
0xb5: {  	_ =	strace $0x90000048  }
0xb6: {  	_ =	sfence  }
0xb7: {  	s30 =	sld [smem:$0x0];
	_ =	sdelay $0x2  }
0xb8: {  	s31 =	sshll.u32 s1, $0xD;
	s1 =	sshrl.u32 s1, $0x2  }
0xb9: {  	s3 =	sand.u32 $0x4000, s31;
	s1 =	sadd.s32 s1, s30  }
0xba: {  	s0 =	sor.u32 s3, s0;
	s1 =	sshll.u32 s1, $0x11  }
0xbb: {  	s0 =	sor.u32 s1, s0  }
0xbc: {  	s0 =	sadd.s32 $0x8F2B, s0  }
0xbd: {  	[sflag:s0] =	ssyncadd.remote.s32 $0x1  }
0xbe: {  	_ =	sfence.sel $0xFFFF  }
0xbf: {  	[dreg:$0x0] =	wrdreg $0xFFFFFFFF;
	(pc) =	sbr.abs _section_cstart, $3  }
0xc0: {  	[dreg:$0x1] =	wrdreg $0xFFFFFFFF  }
0xc1: {  	_ =	task.clear_ibuf [dreg:s7], $0x2FFFF;
	_ =	strace $0x9FFFFFFF  }
0xc2: {  	(tm) =	ssettm $0x7FFFFFFF  }
0xc3: {  	_ =	shalt  }
tec
execute0_lowered:
.L_overlay_start_1:
0x0: {  	(tag) =	ssettag $0x1  }
0x1: {  	s3 =	rddreg [dreg:$0x0]  }
0x2: {  	s4 =	rddreg [dreg:$0x1];
	s1 =	srdreg.scid  }
0x3: {  	s0 =	rddreg [dreg:$0x2];
	s2 =	simm.s32 $0x0;
	s10 =	simm.s32 $0x1  }
0x4: {  	s11 =	simm.s32 $0x2;
	s12 =	simm.s32 $0x10000;
	s13 =	simm.s32 $0x3  }
0x5: {  	s14 =	simm.s32 $0x0;
	s5 =	sand.u32 $0x1, s1;
	[smem:$0x7FF] =	sst s2  }
0x6: {  	s1 =	stileid.u32;
	s6 =	sshll.u32 s5, $0x4;
	_ =	strace $0x80000047  }
0x7: {  	s7 =	sshll.u32 s1, $0x4;
	s9 =	sshll.u32 s1, $0x5;
	s5 =	ssub.s32 $0x2, s5  }
0x8: {  	s6 =	sor.u32 s1, s6;
	s7 =	sand.u32 $0x70, s7;
	s30 =	sshrl.u32 s5, $0x1  }
0x9: {  	s8 =	sshll.u32 s6, $0xD;
	s4 =	sadd.s32 s7, s4;
	s6 =	sshll.u32 s6, $0x4  }
0xa: {  	s31 =	ssub.s32 s5, s30;
	s29 =	sor.u32 s9, s8;
	s6 =	sand.u32 $0x180, s6  }
0xb: {  	s8 =	simm.s32 $0x400;
	s7 =	sand.u32 $0x38060, s29;
	s6 =	sadd.s32 s6, s4  }
0xc: {  	s9 =	simm.s32 $0x8000;
	s3 =	sadd.s32 s3, s7;
	s5 =	sadd.s32 $0x400, s6  }
0xd: {  	v0 =	vlaneseq.u32;
	s6 =	smax.u32 s31, $0x1;
	s7 =	simm.s32 $0x80;
	s4 =	sadd.s32 $0x10, s3  }
.LBB2_1:
0xe: {  	[tilespmem:s2], [sflag:$0x1] =	stream.strided.gather [hbm4b:s3+s7], $0x8000, s8, s7, $0x38;
	[tilespmem:$0x10080] =	vst v63  }
0xf: {  	_ = 	snop  }
0x10: {  	[tilespmem:s9], [sflag:$0x2] =	stream.strided.gather [hbm4b:s4+s7], $0x8000, s8, s7, $0x38;
	[tilespmem:$0x10080] =	vst v63  }
0x11: {  	_ =	swait.ge [sflag:s10], $0x8000  }
0x12: {  	[sflag:s10] =	ssyncset.done $0x0  }
0x13: {  	[sflag:s10] =	ssyncadd.s32 $0xFFFF8000  }
0x14: {  	v14 =	vld [tilespmem:$0x0]  }
0x15: {  	v15 =	vld [tilespmem:$0x10]  }
0x16: {  	v7 =	vld [tilespmem:$0x20]  }
0x17: {  	v8 =	vld [tilespmem:$0x30]  }
0x18: {  	v9 =	vld [tilespmem:$0x40]  }
0x19: {  	v3 =	vld [tilespmem:$0x50]  }
0x1a: {  	v1 =	vld [tilespmem:$0x60]  }
0x1b: {  	s15 =	simm.s32 $0xF0;
	v2 =	vld [tilespmem:$0x70]  }
0x1c: {  	v19 =	vld [tilespmem:s15+$0xFFFFFF90]  }
0x1d: {  	v21 =	vld [tilespmem:s15+$0xFFFFFFA0]  }
0x1e: {  	v16 =	vld [tilespmem:s15+$0xFFFFFFB0]  }
0x1f: {  	v12 =	vor.u32 $0x10, v0;
	v4 =	vor.u32 $0x20, v0;
	v5 =	vor.u32 $0x30, v0;
	v20 =	vld [tilespmem:s15+$0xFFFFFFC0]  }
0x20: {  	v22 =	vor.u32 $0x40, v0;
	v6 =	vor.u32 $0x50, v0;
	v10 =	vor.u32 $0x60, v0;
	v28 =	vld [tilespmem:s15+$0xFFFFFFD0]  }
0x21: {  	s16 =	simm.s32 $0x80;
	v11 =	vor.u32 $0x70, v0;
	s17 =	simm.s32 $0x90;
	s18 =	simm.s32 $0xA0;
	v25 =	vlaneseq.u32;
	v24 =	vor.u32 s15, v0;
	v31 =	vld [tilespmem:s15+$0xFFFFFFE0]  }
0x22: {  	s29 =	simm.s32 $0xB0;
	s30 =	simm.s32 $0xC0;
	s31 =	simm.s32 $0xD0;
	v26 =	vor.u32 s16, v0;
	v27 =	vor.u32 s17, v0;
	v23 =	vor.u32 s18, v0;
	v36 =	vld [tilespmem:s15+$0xFFFFFFF0]  }
0x23: {  	v35 =	vor.u32 s29, v0;
	v34 =	vor.u32 s30, v0;
	v33 =	vor.u32 s31, v0;
	s17 =	simm.s32 $0xE0;
	s16 =	simm.s32 $0x170;
	v37 =	vld [tilespmem:s15+$0x0]  }
.LBB2_2:
0x24: {  	p0 =	sne.s32 s16, $0x7FF0;
	vm0 =	vgt.f32 v19, v14;
	vm1 =	vgt.f32 v21, v15;
	v13 =	vor.u32 s17, v0  }
0x25: {  	v14 =	vsel vm0, v19, v14;
	v25 =	vsel vm0, v26, v25;
	v15 =	vsel vm1, v21, v15  }
0x26: {  	vm2 =	vgt.f32 v20, v8;
	s15 =	sadd.s32 $0x80, s15;
	vm0 =	vgt.f32 v16, v7;
	vm3 =	vgt.f32 v28, v9  }
0x27: {  	v8 =	vsel vm2, v20, v8;
	v7 =	vsel vm0, v16, v7;
	v9 =	vsel vm3, v28, v9;
	v19 =	vld [tilespmem:s15+$0xFFFFFF90]  }
0x28: {  	vm4 =	vgt.f32 v31, v3;
	vm5 =	vgt.f32 v36, v1;
	v21 =	vld [tilespmem:s15+$0xFFFFFFA0];
	vm6 =	vgt.f32 v37, v2  }
0x29: {  	v3 =	vsel vm4, v31, v3;
	v1 =	vsel vm5, v36, v1;
	v16 =	vld [tilespmem:s15+$0xFFFFFFB0];
	v2 =	vsel vm6, v37, v2  }
.Ltmp0:
0x2a: {  	v12 =	vsel vm1, v27, v12;
	v5 =	vsel vm2, v35, v5;
	v4 =	vsel vm0, v23, v4;
	v20 =	vld [tilespmem:s15+$0xFFFFFFC0];
	(pc) =	sbr.rel @p0 .LBB2_2-.Ltmp0, $4  }
0x2b: {  	v22 =	vsel vm3, v34, v22;
	v6 =	vsel vm4, v33, v6;
	v10 =	vsel vm5, v13, v10;
	v28 =	vld [tilespmem:s15+$0xFFFFFFD0]  }
0x2c: {  	s17 =	sadd.s32 $0xFFFFFF90, s16;
	s18 =	sadd.s32 $0xFFFFFFA0, s16;
	s19 =	sadd.s32 $0xFFFFFFB0, s16;
	v11 =	vsel vm6, v24, v11;
	v24 =	vor.u32 s16, v0;
	v31 =	vld [tilespmem:s15+$0xFFFFFFE0]  }
0x2d: {  	v26 =	vor.u32 s17, v0;
	v27 =	vor.u32 s18, v0;
	s17 =	sadd.s32 $0xFFFFFFC0, s16;
	s18 =	sadd.s32 $0xFFFFFFD0, s16;
	v23 =	vor.u32 s19, v0;
	s19 =	sadd.s32 $0xFFFFFFE0, s16;
	v36 =	vld [tilespmem:s15+$0xFFFFFFF0]  }
0x2e: {  	v35 =	vor.u32 s17, v0;
	v34 =	vor.u32 s18, v0;
	s17 =	sadd.s32 $0xFFFFFFF0, s16;
	v33 =	vor.u32 s19, v0;
	s16 =	sadd.s32 $0x80, s16;
	v37 =	vld [tilespmem:s15+$0x0]  }
0x2f: {  	_ =	swait.ge [sflag:s11], $0x8000  }
0x30: {  	[sflag:s11] =	ssyncset.done $0x0  }
0x31: {  	[sflag:s11] =	ssyncadd.s32 $0xFFFF8000  }
0x32: {  	v18 =	vld [tilespmem:$0x8000]  }
0x33: {  	v17 =	vld [tilespmem:$0x8010]  }
0x34: {  	vm0 =	vgt.f32 v19, v14;
	v13 =	vld [tilespmem:$0x8020]  }
0x35: {  	vm1 =	vgt.f32 v21, v15;
	v39 =	vor.u32 s17, v0;
	v29 =	vsel vm0, v19, v14;
	v14 =	vld [tilespmem:$0x8030]  }
0x36: {  	vm15 =	vgt.f32 v16, v7;
	v32 =	vsel vm0, v26, v25;
	v26 =	vsel vm1, v21, v15;
	v15 =	vld [tilespmem:$0x8040]  }
0x37: {  	vm2 =	vgt.f32 v20, v8;
	vm3 =	vgt.f32 v28, v9;
	v30 =	vsel vm15, v16, v7;
	v7 =	vld [tilespmem:$0x8050]  }
0x38: {  	s28 =	simm.s32 $0x80;
	s30 =	simm.s32 $0xC0;
	v25 =	vsel vm2, v20, v8;
	v38 =	vsel vm1, v27, v12;
	v12 =	vlaneseq.u32;
	v8 =	vld [tilespmem:$0x8060]  }
0x39: {  	s16 =	simm.s32 $0x80F0;
	v45 =	vor.u32 s28, v0;
	v27 =	vor.u32 s30, v0;
	v21 =	vsel vm3, v28, v9;
	v9 =	vld [tilespmem:$0x8070]  }
0x3a: {  	vm4 =	vgt.f32 v31, v3;
	v34 =	vsel vm3, v34, v22;
	vm5 =	vgt.f32 v36, v1;
	v42 =	vld [tilespmem:s16+$0xFFFFFF90]  }
0x3b: {  	s15 =	simm.s32 $0xF0;
	s18 =	simm.s32 $0x90;
	s19 =	simm.s32 $0xA0;
	v20 =	vsel vm4, v31, v3;
	v43 =	vld [tilespmem:s16+$0xFFFFFFA0];
	v28 =	vsel vm4, v33, v6;
	v6 =	vor.u32 $0x30, v12  }
0x3c: {  	v41 =	vld [tilespmem:s16+$0xFFFFFFC0];
	v3 =	vor.u32 s15, v0;
	v33 =	vor.u32 s18, v0;
	v31 =	vor.u32 s19, v0  }
0x3d: {  	s29 =	simm.s32 $0xB0;
	v44 =	vld [tilespmem:s16+$0xFFFFFFD0];
	vm6 =	vgt.f32 v37, v2;
	v19 =	vsel vm5, v36, v1;
	v36 =	vsel vm2, v35, v5  }
0x3e: {  	v40 =	vld [tilespmem:s16+$0xFFFFFFE0];
	v5 =	vor.u32 $0x40, v12;
	v1 =	vor.u32 $0x70, v12;
	v35 =	vor.u32 s29, v0  }
0x3f: {  	v16 =	vsel vm6, v37, v2;
	v37 =	vsel vm15, v23, v4;
	v23 =	vsel vm5, v39, v10;
	v39 =	vld [tilespmem:s16+$0xFFFFFFB0]  }
0x40: {  	s31 =	simm.s32 $0xD0;
	v46 =	vld [tilespmem:s16+$0xFFFFFFF0];
	v22 =	vsel vm6, v24, v11;
	v11 =	vor.u32 $0x10, v12;
	v10 =	vor.u32 $0x20, v12  }
0x41: {  	s17 =	simm.s32 $0x170;
	s15 =	simm.s32 $0xE0;
	v47 =	vld [tilespmem:s16+$0x0];
	v4 =	vor.u32 $0x50, v12;
	v2 =	vor.u32 $0x60, v12;
	v24 =	vor.u32 s31, v0  }
.LBB2_4:
0x42: {  	p0 =	sne.s32 s17, $0x7FF0;
	vm0 =	vgt.f32 v42, v18;
	vm1 =	vgt.f32 v43, v17;
	v48 =	vor.u32 s15, v0  }
0x43: {  	v18 =	vsel vm0, v42, v18;
	v12 =	vsel vm0, v45, v12;
	v17 =	vsel vm1, v43, v17  }
0x44: {  	vm2 =	vgt.f32 v41, v14;
	s16 =	sadd.s32 $0x80, s16;
	vm0 =	vgt.f32 v39, v13;
	vm3 =	vgt.f32 v44, v15  }
0x45: {  	v14 =	vsel vm2, v41, v14;
	v13 =	vsel vm0, v39, v13;
	v15 =	vsel vm3, v44, v15;
	v42 =	vld [tilespmem:s16+$0xFFFFFF90]  }
0x46: {  	vm4 =	vgt.f32 v40, v7;
	vm5 =	vgt.f32 v46, v8;
	v43 =	vld [tilespmem:s16+$0xFFFFFFA0];
	vm6 =	vgt.f32 v47, v9  }
0x47: {  	v7 =	vsel vm4, v40, v7;
	v8 =	vsel vm5, v46, v8;
	v39 =	vld [tilespmem:s16+$0xFFFFFFB0];
	v9 =	vsel vm6, v47, v9  }
.Ltmp1:
0x48: {  	v11 =	vsel vm1, v33, v11;
	v6 =	vsel vm2, v35, v6;
	v10 =	vsel vm0, v31, v10;
	v41 =	vld [tilespmem:s16+$0xFFFFFFC0];
	(pc) =	sbr.rel @p0 .LBB2_4-.Ltmp1, $4  }
0x49: {  	v5 =	vsel vm3, v27, v5;
	v4 =	vsel vm4, v24, v4;
	v2 =	vsel vm5, v48, v2;
	v44 =	vld [tilespmem:s16+$0xFFFFFFD0]  }
0x4a: {  	s15 =	sadd.s32 $0xFFFFFF90, s17;
	s18 =	sadd.s32 $0xFFFFFFA0, s17;
	s19 =	sadd.s32 $0xFFFFFFB0, s17;
	v1 =	vsel vm6, v3, v1;
	v3 =	vor.u32 s17, v0;
	v40 =	vld [tilespmem:s16+$0xFFFFFFE0]  }
0x4b: {  	v45 =	vor.u32 s15, v0;
	v33 =	vor.u32 s18, v0;
	s15 =	sadd.s32 $0xFFFFFFC0, s17;
	s18 =	sadd.s32 $0xFFFFFFD0, s17;
	v31 =	vor.u32 s19, v0;
	s19 =	sadd.s32 $0xFFFFFFE0, s17;
	v46 =	vld [tilespmem:s16+$0xFFFFFFF0]  }
0x4c: {  	v35 =	vor.u32 s15, v0;
	v27 =	vor.u32 s18, v0;
	s15 =	sadd.s32 $0xFFFFFFF0, s17;
	v24 =	vor.u32 s19, v0;
	s17 =	sadd.s32 $0x80, s17;
	v47 =	vld [tilespmem:s16+$0x0]  }
0x4d: {  	v48 =	vmax.f32 v29, v26  }
0x4e: {  	v48 =	vmax.f32 v48, v30  }
0x4f: {  	v48 =	vmax.f32 v48, v25  }
0x50: {  	v48 =	vmax.f32 v48, v21  }
0x51: {  	v48 =	vmax.f32 v48, v20  }
0x52: {  	v48 =	vmax.f32 v48, v19  }
0x53: {  	v48 =	vmax.f32 v48, v16  }
0x54: {  	(xrf0) =	vmax.scan.msk.f32 $0xffff, v48;
	_ =	sdelay $0x5  }
0x55: {  	v48, _, _ =	vpop (xrf0)  }
0x56: {  	v48 =	vbroadcast v48, $0xF  }
0x57: {  	vm0 =	vlt.s32 v32, $0x40000000  }
0x58: {  	vm2 =	vgt.f32 v42, v18;
	v32 =	vnsel vm0, $0x40000000, v32;
	vm1 =	veq.f32 v29, v48  }
0x59: {  	vm4 =	vgt.f32 v39, v13;
	vm10 =	vgt.f32 v41, v14;
	v29 =	vnsel vm1, $0x40000000, v32  }
0x5a: {  	vm0 =	vgt.f32 v43, v17;
	v18 =	vsel vm2, v42, v18;
	vm1 =	vlt.s32 v29, v38  }
0x5b: {  	vm3 =	veq.f32 v26, v48;
	vm8 =	veq.f32 v30, v48;
	v49 =	vsel vm1, v29, v38  }
0x5c: {  	v13 =	vsel vm4, v39, v13;
	v50 =	vnsel vm8, $0x40000000, v37;
	v26 =	vsel vm3, v49, v29  }
0x5d: {  	v14 =	vsel vm10, v41, v14;
	vm9 =	veq.f32 v25, v48;
	vm1 =	vlt.s32 v26, v50  }
0x5e: {  	v17 =	vsel vm0, v43, v17;
	v52 =	vnsel vm9, $0x40000000, v36;
	v51 =	vsel vm1, v26, v50  }
0x5f: {  	v59 =	vmax.f32 v18, v17;
	vm6 =	veq.f32 v21, v48;
	vm5 =	vlt.s32 v51, v52  }
0x60: {  	vm13 =	vgt.f32 v46, v8;
	v54 =	vnsel vm6, $0x40000000, v34;
	v53 =	vsel vm5, v51, v52  }
0x61: {  	vm14 =	vgt.f32 v47, v9;
	vm11 =	veq.f32 v20, v48;
	vm5 =	vlt.s32 v53, v54  }
0x62: {  	vm7 =	veq.f32 v19, v48;
	v56 =	vnsel vm11, $0x40000000, v28;
	v55 =	vsel vm5, v53, v54  }
0x63: {  	vm12 =	veq.f32 v16, v48;
	v16 =	vmax.f32 v59, v13;
	vm6 =	vlt.s32 v55, v56  }
0x64: {  	v58 =	vnsel vm7, $0x40000000, v23;
	v60 =	vnsel vm12, $0x40000000, v22;
	v57 =	vsel vm6, v55, v56  }
0x65: {  	v16 =	vmax.f32 v16, v14;
	vm1 =	vgt.f32 v44, v15;
	vm6 =	vlt.s32 v57, v58  }
0x66: {  	v15 =	vsel vm1, v44, v15;
	vm5 =	vgt.f32 v40, v7;
	v19 =	vsel vm6, v57, v58  }
0x67: {  	v16 =	vmax.f32 v16, v15;
	v7 =	vsel vm5, v40, v7;
	vm7 =	vlt.s32 v19, v60  }
0x68: {  	v8 =	vsel vm13, v46, v8;
	v16 =	vmax.f32 v16, v7;
	v19 =	vsel vm7, v19, v60  }
0x69: {  	v9 =	vsel vm14, v47, v9;
	v16 =	vmax.f32 v16, v8;
	v19 =	vxor.u32 $0x80000000, v19  }
0x6a: {  	v16 =	vmax.f32 v16, v9;
	(xrf0) =	vmin.scan.msk.u32 $0xffff, v19  }
0x6b: {  	(xrf0) =	vmax.scan.msk.f32 $0xffff, v16;
	_ =	sdelay $0x4  }
0x6c: {  	v61, _, _ =	vpop (xrf0)  }
0x6d: {  	v62, _, _ =	vpop (xrf0)  }
0x6e: {  	v12 =	vsel vm2, v45, v12;
	v19 =	vbroadcast v62, $0xF  }
0x6f: {  	vm2 =	vlt.s32 v12, $0x40000000  }
0x70: {  	v12 =	vnsel vm2, $0x40000000, v12;
	vm15 =	veq.f32 v18, v19  }
0x71: {  	v11 =	vsel vm0, v33, v11;
	v12 =	vnsel vm15, $0x40000000, v12  }
0x72: {  	v10 =	vsel vm4, v31, v10;
	vm0 =	vlt.s32 v12, v11  }
0x73: {  	vm8 =	veq.f32 v17, v19;
	vm9 =	veq.f32 v13, v19;
	v11 =	vsel vm0, v12, v11  }
0x74: {  	v10 =	vnsel vm9, $0x40000000, v10;
	v11 =	vsel vm8, v11, v12  }
0x75: {  	v6 =	vsel vm10, v35, v6;
	vm10 =	veq.f32 v14, v19;
	vm0 =	vlt.s32 v11, v10  }
0x76: {  	v6 =	vnsel vm10, $0x40000000, v6;
	v10 =	vsel vm0, v11, v10  }
0x77: {  	v5 =	vsel vm1, v27, v5;
	vm11 =	veq.f32 v15, v19;
	vm0 =	vlt.s32 v10, v6  }
0x78: {  	v5 =	vnsel vm11, $0x40000000, v5;
	v6 =	vsel vm0, v10, v6  }
0x79: {  	v4 =	vsel vm5, v24, v4;
	vm12 =	veq.f32 v7, v19;
	vm0 =	vlt.s32 v6, v5  }
0x7a: {  	v63 =	vor.u32 s15, v0;
	v4 =	vnsel vm12, $0x40000000, v4;
	v5 =	vsel vm0, v6, v5  }
0x7b: {  	v2 =	vsel vm13, v63, v2;
	vm13 =	veq.f32 v8, v19;
	vm0 =	vlt.s32 v5, v4  }
0x7c: {  	v2 =	vnsel vm13, $0x40000000, v2;
	v4 =	vsel vm0, v5, v4  }
0x7d: {  	v1 =	vsel vm14, v3, v1;
	vm14 =	veq.f32 v9, v19;
	vm0 =	vlt.s32 v4, v2  }
0x7e: {  	v1 =	vnsel vm14, $0x40000000, v1;
	v2 =	vsel vm0, v4, v2  }
0x7f: {  	vm0 =	vlt.s32 v2, v1  }
0x80: {  	v1 =	vsel vm0, v2, v1  }
0x81: {  	v1 =	vxor.u32 $0x80000000, v1  }
0x82: {  	(xrf0) =	vmin.scan.msk.u32 $0xffff, v1;
	_ =	sdelay $0x5  }
0x83: {  	(v2sf) =	vpush v61, $0xF;
	v1, _, _ =	vpop (xrf0)  }
0x84: {  	(v2sf) =	vpush v1, $0xF;
	_ =	sdelay $0xd  }
0x85: {  	s31 =	spop (v2sf)  }
0x86: {  	s16 =	spop (v2sf)  }
0x87: {  	s16 =	sxor.u32 $0x80000000, s16  }
0x88: {  	s14 =	sadd.s32 $0x1, s14;
	vm15 =	veq.s32 v0, $0x0;
	s15 =	sxor.u32 $0x80000000, s31;
	v1 =	vmov s16  }
0x89: {  	p0 =	sne.s32 s14, s6;
	v1 =	vsel vm15, s15, v1  }
.Ltmp2:
0x8a: {  	[tilespmem:$0x10000] =	vst v1;
	(pc) =	sbr.rel @p0 .LBB2_1-.Ltmp2, $4  }
0x8b: {  	[hbm4b:s5+s2] =	stream.linear.scatter [tilespmem:s12], [sflag:$0x3], $0x80, $0x38;
	[tilespmem:$0x10080] =	vst v63  }
0x8c: {  	_ =	swait.ge [sflag:s13], $0x80  }
0x8d: {  	[sflag:s13] =	ssyncset.done $0x0  }
0x8e: {  	[sflag:s13] =	ssyncadd.s32 $0xFFFFFF80  }
0x8f: {  	_ =	sfence.sel $0x180000  }
0x90: {  	[bflag:$0x0] =	sbarrier.arrive $0xFFFF  }
0x91: {  	p0 =	sne.s32 s1, $0x0;
	_ =	strace $0x90000047  }
0x92: {  	s0 =	sadd.s32 @!p0 $0x100000, s0;
	[bflag:$0x2] =	sbarrier.arrive $0xFFFF  }
0x93: {  	[sflag:s0] =	ssyncadd.tile.s32 @!p0 $0x1;
	_ =	shalt  }
.Lfunc_end2:
_tile_overlayer_lowered:
.L_overlay_start_2:
0x94: {  	(tag) =	ssettag $0x2  }
0x95: {  	s0 =	rddreg [dreg:$0x0];
	s2 =	stileid.u32  }
0x96: {  	s1 =	rddreg [dreg:$0x1];
	p0 =	sne.s32 s2, $0x0  }
0x97: {  	s3 =	rddreg [dreg:$0x2];
	[bflag:$0x3] =	sbarrier.arrive $0xFFFF;
	s2 =	simm.s32 @!p0 $0x1C03  }
0x98: {  	[timem:s3], [sflag:s2] =	dma.local @!p0 [hbm:s0], s1  }
0x99: {  	s0 =	simm.s32 @!p0 $0x3  }
0x9a: {  	_ =	swait.ge @!p0 [sflag:s0], s1  }
0x9b: {  	s1 =	ssub.s32 @!p0 $0x0, s1;
	[sflag:s0] =	ssyncset.done @!p0 $0x0  }
0x9c: {  	[sflag:s0] =	ssyncadd.s32 @!p0 s1  }
0x9d: {  	[bflag:$0x3] =	sbarrier.arrive $0xFFFF  }
0x9e: {  	_ =	shalt  }

</sc_bundles>
